<compile_context>
chip_gen: v7x
topology: tpu7x:2x2x1
jax: 0.10.2.dev20260603
libtpu: 0.0.44.dev20260713+nightly
codegen_flags: <defaults>
</compile_context>

<pallas_src>
import functools

import jax
import jax.numpy as jnp
from jax import lax
from jax.experimental import pallas as pl
from jax.experimental.pallas import tpu as pltpu
from jax.experimental.pallas import tpu_sc as plsc

NC = 2
NS = 16
LANES = 16


@functools.partial(jax.jit, static_argnames=("npad", "d", "e", "with_cnt"))
def _sc_aggregate(x_pad, src, dst, *, npad, d, e, with_cnt):
    nw = NC * NS
    ept = e // nw
    K = 80
    iters = ept // K
    rpt = npad // NS

    mesh = plsc.VectorSubcoreMesh(
        core_axis_name="c", subcore_axis_name="s",
        num_cores=NC, num_subcores=NS)

    out_type = [jax.ShapeDtypeStruct((NC, npad, d), jnp.float32)]
    scratch = [
        pltpu.VMEM_SHARED((npad, d), jnp.float32),
        pltpu.VMEM((K,), jnp.int32),
        pltpu.VMEM((K,), jnp.int32),
        pltpu.VMEM((K, d), jnp.float32),
        pltpu.VMEM((16, d), jnp.float32),
        pltpu.SemaphoreType.DMA,
    ]
    if with_cnt:
        out_type.append(jax.ShapeDtypeStruct((NC, npad), jnp.float32))
        scratch += [
            pltpu.VMEM_SHARED((npad,), jnp.float32),
            pltpu.VMEM((K,), jnp.float32),
            pltpu.VMEM((rpt,), jnp.float32),
        ]

    def body(x_hbm, src_hbm, dst_hbm, out_hbm, *rest):
        if with_cnt:
            cnt_hbm, acc, src_v, dst_v, rows_v, zbuf, sem, hist, ones_v, zstrip = rest
        else:
            acc, src_v, dst_v, rows_v, zbuf, sem = rest
        c = lax.axis_index("c")
        s = lax.axis_index("s")
        wid = c * NS + s
        row0 = s * rpt
        ebase = wid * ept

        def fill_zb(i, _):
            zbuf[i // (d // LANES), pl.ds((i % (d // LANES)) * LANES, LANES)] = (
                jnp.zeros((LANES,), jnp.float32))
            return 0
        lax.fori_loop(0, 16 * (d // LANES), fill_zb, 0)

        def zcp(j, _):
            pltpu.sync_copy(zbuf, acc.at[pl.ds(row0 + j * 16, 16)])
            return 0
        lax.fori_loop(0, rpt // 16, zcp, 0)

        if with_cnt:
            def fill_zs(i, _):
                zstrip[pl.ds(i * LANES, LANES)] = jnp.zeros((LANES,), jnp.float32)
                return 0
            lax.fori_loop(0, rpt // LANES, fill_zs, 0)
            pltpu.sync_copy(zstrip, hist.at[pl.ds(row0, rpt)])

            def fill_ones(i, _):
                ones_v[pl.ds(i * LANES, LANES)] = jnp.ones((LANES,), jnp.float32)
                return 0
            lax.fori_loop(0, K // LANES, fill_ones, 0)

        plsc.subcore_barrier()

        def step(i, _):
            base = ebase + i * K
            pltpu.sync_copy(src_hbm.at[pl.ds(base, K)], src_v)
            pltpu.sync_copy(dst_hbm.at[pl.ds(base, K)], dst_v)
            pltpu.async_copy(x_hbm.at[src_v], rows_v, sem).wait()
            pltpu.sync_copy(rows_v, acc.at[dst_v], add=True)
            if with_cnt:
                pltpu.sync_copy(ones_v, hist.at[dst_v], add=True)
            return 0
        lax.fori_loop(0, iters, step, 0)

        plsc.subcore_barrier()

        pltpu.sync_copy(acc.at[pl.ds(row0, rpt)], out_hbm.at[c, pl.ds(row0, rpt)])
        if with_cnt:
            pltpu.sync_copy(hist.at[pl.ds(row0, rpt)],
                            cnt_hbm.at[c, pl.ds(row0, rpt)])

    return pl.kernel(body, out_type=tuple(out_type), mesh=mesh,
                     scratch_types=tuple(scratch))(x_pad, src, dst)


def _dense_body(s_ref, cnt_ref, x_ref, wl_ref, wr_ref, b_ref, o_ref):
    ssum = s_ref[0] + s_ref[1]
    cnt = cnt_ref[0] + cnt_ref[1]
    inv = 1.0 / jnp.maximum(cnt, 1.0)
    mean = ssum * inv[:, None]
    h = (jnp.dot(mean, wl_ref[...], preferred_element_type=jnp.float32)
         + jnp.dot(x_ref[...], wr_ref[...], preferred_element_type=jnp.float32)
         + b_ref[...])
    o_ref[...] = jnp.maximum(h, 0.0)


@functools.partial(jax.jit, static_argnames=("npad", "d", "bn"))
def _tc_dense(summed, cnt, x_pad, wl, b, wr, *, npad, d, bn):
    grid = (npad // bn,)
    return pl.pallas_call(
        _dense_body,
        grid=grid,
        in_specs=[
            pl.BlockSpec((NC, bn, d), lambda k: (0, k, 0)),
            pl.BlockSpec((NC, bn), lambda k: (0, k)),
            pl.BlockSpec((bn, d), lambda k: (k, 0)),
            pl.BlockSpec((d, d), lambda k: (0, 0)),
            pl.BlockSpec((d, d), lambda k: (0, 0)),
            pl.BlockSpec((1, d), lambda k: (0, 0)),
        ],
        out_specs=pl.BlockSpec((bn, d), lambda k: (k, 0)),
        out_shape=jax.ShapeDtypeStruct((npad, d), jnp.float32),
    )(summed, cnt, x_pad, wl, wr, b.reshape(1, d))


def kernel(x, edge_index, W1l, b1, W1r, W2l, b2, W2r, W3l, b3, W3r):
    n, d = x.shape
    e = edge_index.shape[1]
    npad = ((n + 2047) // 2048) * 2048
    bn = 2048
    src = edge_index[0]
    dst = edge_index[1]
    x_pad = jnp.zeros((npad, d), jnp.float32).at[:n].set(x)

    summed, cnt = _sc_aggregate(x_pad, src, dst, npad=npad, d=d, e=e,
                                with_cnt=True)
    h = _tc_dense(summed, cnt, x_pad, W1l, b1, W1r, npad=npad, d=d, bn=bn)
    (summed,) = _sc_aggregate(h, src, dst, npad=npad, d=d, e=e, with_cnt=False)
    h = _tc_dense(summed, cnt, h, W2l, b2, W2r, npad=npad, d=d, bn=bn)
    (summed,) = _sc_aggregate(h, src, dst, npad=npad, d=d, e=e, with_cnt=False)
    h = _tc_dense(summed, cnt, h, W3l, b3, W3r, npad=npad, d=d, bn=bn)
    return h[:n]

# --- scband reference (transcript-rebuilt; emitter-appended) ---
"""Pipeline reference for scband-gnnencoder-2637109919787 (READ-ONLY COPY).

The authoritative reference and input builder live on the scoring server;
editing this copy changes nothing except your own understanding.
"""

import jax, jax.numpy as jnp
import numpy as np

N = 10000
E = 320000
D = 128


def _glorot(key, shape):
    fan_in, fan_out = shape[0], shape[1]
    lim = jnp.sqrt(6.0 / (fan_in + fan_out))
    return jax.random.uniform(key, shape, dtype=jnp.float32, minval=-lim, maxval=lim)


def setup_inputs(seed: int = 0) -> dict:
    key = jax.random.key(seed)
    ks = jax.random.split(key, 12)
    x = jax.random.normal(ks[0], (N, D), dtype=jnp.float32)
    edge_index = jax.random.randint(ks[1], (2, E), 0, N, dtype=jnp.int32)
    inp = {"x": x, "edge_index": edge_index}
    # SAGEConv params per layer: lin_l (aggregated neighbors, with bias), lin_r (root, no bias)
    for i, (kw1, kb, kw2) in enumerate([(ks[2], ks[3], ks[4]), (ks[5], ks[6], ks[7]), (ks[8], ks[9], ks[10])], start=1):
        inp[f"W{i}l"] = _glorot(kw1, (D, D))
        inp[f"b{i}"] = jnp.zeros((D,), dtype=jnp.float32)
        inp[f"W{i}r"] = _glorot(kw2, (D, D))
    return inp


def _sage_conv(x, src, dst, Wl, b, Wr, num_nodes):
    # message = x[src], mean-aggregated onto dst nodes
    msg = jnp.take(x, src, axis=0)
    summed = jax.ops.segment_sum(msg, dst, num_segments=num_nodes)
    cnt = jax.ops.segment_sum(jnp.ones((src.shape[0], 1), dtype=x.dtype), dst, num_segments=num_nodes)
    mean = summed / jnp.clip(cnt, 1.0, None)
    return mean @ Wl + b + x @ Wr


def reference(x, edge_index, W1l, b1, W1r, W2l, b2, W2r, W3l, b3, W3r):
    num_nodes = x.shape[0]
    src = edge_index[0]
    dst = edge_index[1]
    h = jax.nn.relu(_sage_conv(x, src, dst, W1l, b1, W1r, num_nodes))
    h = jax.nn.relu(_sage_conv(h, src, dst, W2l, b2, W2r, num_nodes))
    h = jax.nn.relu(_sage_conv(h, src, dst, W3l, b3, W3r, num_nodes))
    return h

if __name__ == "__main__":
    import jax
    _d = setup_inputs()
    print(jax.jit(kernel)(*tuple(_d.values())))

</pallas_src>

<mosaic_0001>
#map = affine_map<(d0, d1) -> (0, 0)>
#map1 = affine_map<(d0, d1) -> (0)>
#map2 = affine_map<(d0, d1) -> (0, 0, 0)>
module attributes {stable_mosaic.version = 14 : i64} {
  func.func @body(%arg0: i32, %arg1: i32, %arg2: memref<10240x128xf32, #tpu.memory_space<hbm>>, %arg3: memref<320000xi32, #tpu.memory_space<hbm>>, %arg4: memref<320000xi32, #tpu.memory_space<hbm>>, %arg5: memref<2x10240x128xf32, #tpu.memory_space<hbm>>, %arg6: memref<2x10240xf32, #tpu.memory_space<hbm>>, %arg7: memref<10240x128xf32, #tpu.memory_space<vmem_shared>>, %arg8: memref<80xi32, #tpu.memory_space<vmem>>, %arg9: memref<80xi32, #tpu.memory_space<vmem>>, %arg10: memref<80x128xf32, #tpu.memory_space<vmem>>, %arg11: memref<16x128xf32, #tpu.memory_space<vmem>>, %arg12: memref<!tpu.dma_semaphore, #tpu.memory_space<semaphore_mem>>, %arg13: memref<10240xf32, #tpu.memory_space<vmem_shared>>, %arg14: memref<80xf32, #tpu.memory_space<vmem>>, %arg15: memref<640xf32, #tpu.memory_space<vmem>>) attributes {dimension_semantics = [#tpu.dimension_semantics<core_parallel>, #tpu.dimension_semantics<subcore_parallel>], iteration_bounds = array<i64: 2, 16>, scalar_prefetch = 0 : i64, scratch_operands = 9 : i64, tpu.core_type = #tpu.core_type<sc_vector_subcore>, window_params = [{transform_indices = #map}, {transform_indices = #map1}, {transform_indices = #map1}, {transform_indices = #map2}, {transform_indices = #map}]} {
    %mul3A = arith.constant 16 : i32
    %mul3A_0 = arith.muli %arg0, %mul3A : i32
    %add3A = arith.addi %mul3A_0, %arg1 : i32
    %mul3A_1 = arith.constant 640 : i32
    %mul3A_2 = arith.muli %arg1, %mul3A_1 : i32
    %mul3A_3 = arith.constant 10000 : i32
    %mul3A_4 = arith.muli %add3A, %mul3A_3 : i32
    %scan3A = arith.constant 0 : i32
    %scan3A_5 = arith.constant 0 : i32
    %scan3A_6 = arith.constant 128 : i32
    %scan3A_7 = arith.addi %scan3A_5, %scan3A_6 : i32
    %scan3A_8 = arith.constant 1 : i32
    %scan3A_9 = scf.for %scan3A_40 = %scan3A_5 to %scan3A_7 step %scan3A_8 iter_args(%scan3A_41 = %scan3A) -> (i32)  : i32 {
      %broadcast_in_dim3A = arith.constant 0.000000e+00 : f32
      %broadcast_in_dim3A_42 = vector.broadcast %broadcast_in_dim3A : f32 to vector<16xf32>
      %jit3A = arith.constant 8 : i32
      %div3A = arith.divsi %scan3A_40, %jit3A : i32
      %sign3A = arith.constant 0 : i32
      %sign3A_43 = arith.cmpi sgt, %scan3A_40, %sign3A : i32
      %sign3A_44 = arith.extui %sign3A_43 : i1 to i32
      %sign3A_45 = arith.constant 0 : i32
      %sign3A_46 = arith.cmpi slt, %scan3A_40, %sign3A_45 : i32
      %sign3A_47 = arith.extui %sign3A_46 : i1 to i32
      %sign3A_48 = arith.subi %sign3A_44, %sign3A_47 : i32
      %sign3A_49 = arith.constant 0 : i32
      %sign3A_50 = arith.cmpi sgt, %jit3A, %sign3A_49 : i32
      %sign3A_51 = arith.extui %sign3A_50 : i1 to i32
      %sign3A_52 = arith.constant 0 : i32
      %sign3A_53 = arith.cmpi slt, %jit3A, %sign3A_52 : i32
      %sign3A_54 = arith.extui %sign3A_53 : i1 to i32
      %sign3A_55 = arith.subi %sign3A_51, %sign3A_54 : i32
      %ne3A = arith.cmpi ne, %sign3A_48, %sign3A_55 : i32
      %rem3A = arith.remsi %scan3A_40, %jit3A : i32
      %ne3A_56 = arith.constant 0 : i32
      %ne3A_57 = arith.cmpi ne, %rem3A, %ne3A_56 : i32
      %and3A = arith.andi %ne3A, %ne3A_57 : i1
      %sub3A = arith.constant 1 : i32
      %sub3A_58 = arith.subi %div3A, %sub3A : i32
      %select_n3A = arith.select %and3A, %sub3A_58, %div3A : i32
      %jit3A_59 = arith.constant 8 : i32
      %eq3A = arith.constant 0 : i32
      %eq3A_60 = arith.cmpi eq, %jit3A_59, %eq3A : i32
      %jit3A_61 = arith.constant 1 : i32
      %select_n3A_62 = arith.select %eq3A_60, %jit3A_61, %jit3A_59 : i32
      %rem3A_63 = arith.remsi %scan3A_40, %select_n3A_62 : i32
      %ne3A_64 = arith.constant 0 : i32
      %ne3A_65 = arith.cmpi ne, %rem3A_63, %ne3A_64 : i32
      %lt3A = arith.constant 0 : i32
      %lt3A_66 = arith.cmpi slt, %rem3A_63, %lt3A : i32
      %lt3A_67 = arith.constant 0 : i32
      %lt3A_68 = arith.cmpi slt, %select_n3A_62, %lt3A_67 : i32
      %ne3A_69 = arith.xori %lt3A_66, %lt3A_68 : i1
      %and3A_70 = arith.andi %ne3A_69, %ne3A_65 : i1
      %add3A_71 = arith.addi %rem3A_63, %select_n3A_62 : i32
      %select_n3A_72 = arith.select %and3A_70, %add3A_71, %rem3A_63 : i32
      %mul3A_73 = arith.constant 16 : i32
      %mul3A_74 = arith.muli %select_n3A_72, %mul3A_73 : i32
      %swap3A = arith.index_cast %select_n3A : i32 to index
      %swap3A_75 = arith.index_cast %mul3A_74 : i32 to index
      %swap3A_76 = tpu.vector_load %arg11[%swap3A, %swap3A_75] {strides = array<i32>} : memref<16x128xf32, #tpu.memory_space<vmem>>, vector<1x16xf32>,
      %swap3A_77 = vector.shape_cast %swap3A_76 : vector<1x16xf32> to vector<16xf32>
      %swap3A_78 = vector.shape_cast %broadcast_in_dim3A_42 : vector<16xf32> to vector<1x16xf32>
      tpu.vector_store %arg11[%swap3A, %swap3A_75], %swap3A_78 {strides = array<i32>} : memref<16x128xf32, #tpu.memory_space<vmem>>, vector<1x16xf32>,
      %scan3A_79 = arith.constant 0 : i32
      scf.yield %scan3A_79 : i32
    }
    %scan3A_10 = arith.constant 128 : i32
    %scan3A_11 = arith.constant 0 : i32
    %scan3A_12 = arith.constant 0 : i32
    %scan3A_13 = arith.constant 40 : i32
    %scan3A_14 = arith.addi %scan3A_12, %scan3A_13 : i32
    %scan3A_15 = arith.constant 1 : i32
    %scan3A_16 = scf.for %scan3A_40 = %scan3A_12 to %scan3A_14 step %scan3A_15 iter_args(%scan3A_41 = %scan3A_11) -> (i32)  : i32 {
      %mul3A_42 = arith.constant 16 : i32
      %mul3A_43 = arith.muli %scan3A_40, %mul3A_42 : i32
      %add3A_44 = arith.addi %mul3A_2, %mul3A_43 : i32
      "tpu.region"() ({
        %run_scoped3A = tpu.sem_alloc : memref<!tpu.dma_semaphore, #tpu.memory_space<semaphore_mem>>
        %dma_start3A = arith.constant 0 : i32
        %dma_start3A_46 = tpu.memref_slice %arg7[%add3A_44, %dma_start3A] : memref<10240x128xf32, #tpu.memory_space<vmem_shared>> -> memref<16x128xf32, #tpu.memory_space<vmem_shared>>
        %dma_start3A_47 = arith.constant 0 : i32
        %dma_start3A_48 = tpu.memref_slice %arg7[%add3A_44, %dma_start3A_47] : memref<10240x128xf32, #tpu.memory_space<vmem_shared>> -> memref<16x128xf32, #tpu.memory_space<vmem_shared>>
        tpu.enqueue_dma source(%arg11 : memref<16x128xf32, #tpu.memory_space<vmem>>) target(%dma_start3A_48 : memref<16x128xf32, #tpu.memory_space<vmem_shared>>) target_semaphore(%run_scoped3A : memref<!tpu.dma_semaphore, #tpu.memory_space<semaphore_mem>>)
        %dma_wait3A = arith.constant 0 : i32
        %dma_wait3A_49 = tpu.memref_slice %arg7[%add3A_44, %dma_wait3A] : memref<10240x128xf32, #tpu.memory_space<vmem_shared>> -> memref<16x128xf32, #tpu.memory_space<vmem_shared>>
        %dma_wait3A_50 = arith.constant 0 : i32
        %dma_wait3A_51 = tpu.memref_slice %arg7[%add3A_44, %dma_wait3A_50] : memref<10240x128xf32, #tpu.memory_space<vmem_shared>> -> memref<16x128xf32, #tpu.memory_space<vmem_shared>>
        tpu.wait_dma2 semaphore(%run_scoped3A : memref<!tpu.dma_semaphore, #tpu.memory_space<semaphore_mem>>) src(%arg11 : memref<16x128xf32, #tpu.memory_space<vmem>>) dst(%dma_wait3A_51 : memref<16x128xf32, #tpu.memory_space<vmem_shared>>)
        tpu.yield
      }) : () -> ()
      %scan3A_45 = arith.constant 0 : i32
      scf.yield %scan3A_45 : i32
    }
    %scan3A_17 = arith.constant 40 : i32
    %scan3A_18 = arith.constant 0 : i32
    %scan3A_19 = arith.constant 0 : i32
    %scan3A_20 = arith.constant 40 : i32
    %scan3A_21 = arith.addi %scan3A_19, %scan3A_20 : i32
    %scan3A_22 = arith.constant 1 : i32
    %scan3A_23 = scf.for %scan3A_40 = %scan3A_19 to %scan3A_21 step %scan3A_22 iter_args(%scan3A_41 = %scan3A_18) -> (i32)  : i32 {
      %broadcast_in_dim3A = arith.constant 0.000000e+00 : f32
      %broadcast_in_dim3A_42 = vector.broadcast %broadcast_in_dim3A : f32 to vector<16xf32>
      %mul3A_43 = arith.constant 16 : i32
      %mul3A_44 = arith.muli %scan3A_40, %mul3A_43 : i32
      %swap3A = arith.index_cast %mul3A_44 : i32 to index
      %swap3A_45 = tpu.vector_load %arg15[%swap3A] {strides = array<i32>} : memref<640xf32, #tpu.memory_space<vmem>>, vector<16xf32>,
      %swap3A_46 = vector.shape_cast %swap3A_45 : vector<16xf32> to vector<16xf32>
      %swap3A_47 = vector.shape_cast %broadcast_in_dim3A_42 : vector<16xf32> to vector<16xf32>
      tpu.vector_store %arg15[%swap3A], %swap3A_47 {strides = array<i32>} : memref<640xf32, #tpu.memory_space<vmem>>, vector<16xf32>,
      %scan3A_48 = arith.constant 0 : i32
      scf.yield %scan3A_48 : i32
    }
    %scan3A_24 = arith.constant 40 : i32
    "tpu.region"() ({
      %run_scoped3A = tpu.sem_alloc : memref<!tpu.dma_semaphore, #tpu.memory_space<semaphore_mem>>
      %dma_start3A = tpu.memref_slice %arg13[%mul3A_2] : memref<10240xf32, #tpu.memory_space<vmem_shared>> -> memref<640xf32, #tpu.memory_space<vmem_shared>>
      %dma_start3A_40 = tpu.memref_slice %arg13[%mul3A_2] : memref<10240xf32, #tpu.memory_space<vmem_shared>> -> memref<640xf32, #tpu.memory_space<vmem_shared>>
      tpu.enqueue_dma source(%arg15 : memref<640xf32, #tpu.memory_space<vmem>>) target(%dma_start3A_40 : memref<640xf32, #tpu.memory_space<vmem_shared>>) target_semaphore(%run_scoped3A : memref<!tpu.dma_semaphore, #tpu.memory_space<semaphore_mem>>)
      %dma_wait3A = tpu.memref_slice %arg13[%mul3A_2] : memref<10240xf32, #tpu.memory_space<vmem_shared>> -> memref<640xf32, #tpu.memory_space<vmem_shared>>
      %dma_wait3A_41 = tpu.memref_slice %arg13[%mul3A_2] : memref<10240xf32, #tpu.memory_space<vmem_shared>> -> memref<640xf32, #tpu.memory_space<vmem_shared>>
      tpu.wait_dma2 semaphore(%run_scoped3A : memref<!tpu.dma_semaphore, #tpu.memory_space<semaphore_mem>>) src(%arg15 : memref<640xf32, #tpu.memory_space<vmem>>) dst(%dma_wait3A_41 : memref<640xf32, #tpu.memory_space<vmem_shared>>)
      tpu.yield
    }) : () -> ()
    %scan3A_25 = arith.constant 0 : i32
    %scan3A_26 = arith.constant 0 : i32
    %scan3A_27 = arith.constant 5 : i32
    %scan3A_28 = arith.addi %scan3A_26, %scan3A_27 : i32
    %scan3A_29 = arith.constant 1 : i32
    %scan3A_30 = scf.for %scan3A_40 = %scan3A_26 to %scan3A_28 step %scan3A_29 iter_args(%scan3A_41 = %scan3A_25) -> (i32)  : i32 {
      %broadcast_in_dim3A = arith.constant 1.000000e+00 : f32
      %broadcast_in_dim3A_42 = vector.broadcast %broadcast_in_dim3A : f32 to vector<16xf32>
      %mul3A_43 = arith.constant 16 : i32
      %mul3A_44 = arith.muli %scan3A_40, %mul3A_43 : i32
      %swap3A = arith.index_cast %mul3A_44 : i32 to index
      %swap3A_45 = tpu.vector_load %arg14[%swap3A] {strides = array<i32>} : memref<80xf32, #tpu.memory_space<vmem>>, vector<16xf32>,
      %swap3A_46 = vector.shape_cast %swap3A_45 : vector<16xf32> to vector<16xf32>
      %swap3A_47 = vector.shape_cast %broadcast_in_dim3A_42 : vector<16xf32> to vector<16xf32>
      tpu.vector_store %arg14[%swap3A], %swap3A_47 {strides = array<i32>} : memref<80xf32, #tpu.memory_space<vmem>>, vector<16xf32>,
      %scan3A_48 = arith.constant 0 : i32
      scf.yield %scan3A_48 : i32
    }
    %scan3A_31 = arith.constant 5 : i32
    %barrier3A = arith.constant 0 : index
    tpu.barrier barrier_id(%barrier3A)
    %scan3A_32 = arith.constant 0 : i32
    %scan3A_33 = arith.constant 0 : i32
    %scan3A_34 = arith.constant 125 : i32
    %scan3A_35 = arith.addi %scan3A_33, %scan3A_34 : i32
    %scan3A_36 = arith.constant 1 : i32
    %scan3A_37 = scf.for %scan3A_40 = %scan3A_33 to %scan3A_35 step %scan3A_36 iter_args(%scan3A_41 = %scan3A_32) -> (i32)  : i32 {
      %mul3A_42 = arith.constant 80 : i32
      %mul3A_43 = arith.muli %scan3A_40, %mul3A_42 : i32
      %add3A_44 = arith.addi %mul3A_4, %mul3A_43 : i32
      "tpu.region"() ({
        %run_scoped3A = tpu.sem_alloc : memref<!tpu.dma_semaphore, #tpu.memory_space<semaphore_mem>>
        %dma_start3A_50 = tpu.memref_slice %arg3[%add3A_44] : memref<320000xi32, #tpu.memory_space<hbm>> -> memref<80xi32, #tpu.memory_space<hbm>>
        %dma_start3A_51 = tpu.memref_slice %arg3[%add3A_44] : memref<320000xi32, #tpu.memory_space<hbm>> -> memref<80xi32, #tpu.memory_space<hbm>>
        tpu.enqueue_dma source(%dma_start3A_51 : memref<80xi32, #tpu.memory_space<hbm>>) target(%arg8 : memref<80xi32, #tpu.memory_space<vmem>>) target_semaphore(%run_scoped3A : memref<!tpu.dma_semaphore, #tpu.memory_space<semaphore_mem>>)
        %dma_wait3A_52 = tpu.memref_slice %arg3[%add3A_44] : memref<320000xi32, #tpu.memory_space<hbm>> -> memref<80xi32, #tpu.memory_space<hbm>>
        %dma_wait3A_53 = tpu.memref_slice %arg3[%add3A_44] : memref<320000xi32, #tpu.memory_space<hbm>> -> memref<80xi32, #tpu.memory_space<hbm>>
        tpu.wait_dma2 semaphore(%run_scoped3A : memref<!tpu.dma_semaphore, #tpu.memory_space<semaphore_mem>>) src(%dma_wait3A_53 : memref<80xi32, #tpu.memory_space<hbm>>) dst(%arg8 : memref<80xi32, #tpu.memory_space<vmem>>)
        tpu.yield
      }) : () -> ()
      "tpu.region"() ({
        %run_scoped3A = tpu.sem_alloc : memref<!tpu.dma_semaphore, #tpu.memory_space<semaphore_mem>>
        %dma_start3A_50 = tpu.memref_slice %arg4[%add3A_44] : memref<320000xi32, #tpu.memory_space<hbm>> -> memref<80xi32, #tpu.memory_space<hbm>>
        %dma_start3A_51 = tpu.memref_slice %arg4[%add3A_44] : memref<320000xi32, #tpu.memory_space<hbm>> -> memref<80xi32, #tpu.memory_space<hbm>>
        tpu.enqueue_dma source(%dma_start3A_51 : memref<80xi32, #tpu.memory_space<hbm>>) target(%arg9 : memref<80xi32, #tpu.memory_space<vmem>>) target_semaphore(%run_scoped3A : memref<!tpu.dma_semaphore, #tpu.memory_space<semaphore_mem>>)
        %dma_wait3A_52 = tpu.memref_slice %arg4[%add3A_44] : memref<320000xi32, #tpu.memory_space<hbm>> -> memref<80xi32, #tpu.memory_space<hbm>>
        %dma_wait3A_53 = tpu.memref_slice %arg4[%add3A_44] : memref<320000xi32, #tpu.memory_space<hbm>> -> memref<80xi32, #tpu.memory_space<hbm>>
        tpu.wait_dma2 semaphore(%run_scoped3A : memref<!tpu.dma_semaphore, #tpu.memory_space<semaphore_mem>>) src(%dma_wait3A_53 : memref<80xi32, #tpu.memory_space<hbm>>) dst(%arg9 : memref<80xi32, #tpu.memory_space<vmem>>)
        tpu.yield
      }) : () -> ()
      %dma_start3A = arith.constant 0 : i32
      %dma_start3A_45 = arith.constant 0 : i32
      %dma_start3A_46 = tpu.memref_slice %arg2[%dma_start3A, %dma_start3A_45] : memref<10240x128xf32, #tpu.memory_space<hbm>> -> memref<10240x128xf32, #tpu.memory_space<hbm>>
      tpu.enqueue_indirect_dma source(%dma_start3A_46 : memref<10240x128xf32, #tpu.memory_space<hbm>>) target(%arg10 : memref<80x128xf32, #tpu.memory_space<vmem>>) offsets(%arg8 : memref<80xi32, #tpu.memory_space<vmem>>) semaphore(%arg12 : memref<!tpu.dma_semaphore, #tpu.memory_space<semaphore_mem>>)
      %dma_wait3A = arith.constant 0 : i32
      %dma_wait3A_47 = arith.constant 0 : i32
      %dma_wait3A_48 = tpu.memref_slice %arg2[%dma_wait3A, %dma_wait3A_47] : memref<10240x128xf32, #tpu.memory_space<hbm>> -> memref<10240x128xf32, #tpu.memory_space<hbm>>
      tpu.wait_indirect_dma semaphore(%arg12 : memref<!tpu.dma_semaphore, #tpu.memory_space<semaphore_mem>>) src(%dma_wait3A_48 : memref<10240x128xf32, #tpu.memory_space<hbm>>) dst(%arg10 : memref<80x128xf32, #tpu.memory_space<vmem>>)
      "tpu.region"() ({
        %run_scoped3A = tpu.sem_alloc : memref<!tpu.dma_semaphore, #tpu.memory_space<semaphore_mem>>
        %dma_start3A_50 = arith.constant 0 : i32
        %dma_start3A_51 = arith.constant 0 : i32
        %dma_start3A_52 = tpu.memref_slice %arg7[%dma_start3A_50, %dma_start3A_51] : memref<10240x128xf32, #tpu.memory_space<vmem_shared>> -> memref<10240x128xf32, #tpu.memory_space<vmem_shared>>
        tpu.enqueue_indirect_dma source(%arg10 : memref<80x128xf32, #tpu.memory_space<vmem>>) target(%dma_start3A_52 : memref<10240x128xf32, #tpu.memory_space<vmem_shared>>) offsets(%arg9 : memref<80xi32, #tpu.memory_space<vmem>>) semaphore(%run_scoped3A : memref<!tpu.dma_semaphore, #tpu.memory_space<semaphore_mem>>) {add = true}
        %dma_wait3A_53 = arith.constant 0 : i32
        %dma_wait3A_54 = arith.constant 0 : i32
        %dma_wait3A_55 = tpu.memref_slice %arg7[%dma_wait3A_53, %dma_wait3A_54] : memref<10240x128xf32, #tpu.memory_space<vmem_shared>> -> memref<10240x128xf32, #tpu.memory_space<vmem_shared>>
        tpu.wait_indirect_dma semaphore(%run_scoped3A : memref<!tpu.dma_semaphore, #tpu.memory_space<semaphore_mem>>) src(%arg10 : memref<80x128xf32, #tpu.memory_space<vmem>>) dst(%dma_wait3A_55 : memref<10240x128xf32, #tpu.memory_space<vmem_shared>>)
        tpu.yield
      }) : () -> ()
      "tpu.region"() ({
        %run_scoped3A = tpu.sem_alloc : memref<!tpu.dma_semaphore, #tpu.memory_space<semaphore_mem>>
        %dma_start3A_50 = arith.constant 0 : i32
        %dma_start3A_51 = tpu.memref_slice %arg13[%dma_start3A_50] : memref<10240xf32, #tpu.memory_space<vmem_shared>> -> memref<10240xf32, #tpu.memory_space<vmem_shared>>
        tpu.enqueue_indirect_dma source(%arg14 : memref<80xf32, #tpu.memory_space<vmem>>) target(%dma_start3A_51 : memref<10240xf32, #tpu.memory_space<vmem_shared>>) offsets(%arg9 : memref<80xi32, #tpu.memory_space<vmem>>) semaphore(%run_scoped3A : memref<!tpu.dma_semaphore, #tpu.memory_space<semaphore_mem>>) {add = true}
        %dma_wait3A_52 = arith.constant 0 : i32
        %dma_wait3A_53 = tpu.memref_slice %arg13[%dma_wait3A_52] : memref<10240xf32, #tpu.memory_space<vmem_shared>> -> memref<10240xf32, #tpu.memory_space<vmem_shared>>
        tpu.wait_indirect_dma semaphore(%run_scoped3A : memref<!tpu.dma_semaphore, #tpu.memory_space<semaphore_mem>>) src(%arg14 : memref<80xf32, #tpu.memory_space<vmem>>) dst(%dma_wait3A_53 : memref<10240xf32, #tpu.memory_space<vmem_shared>>)
        tpu.yield
      }) : () -> ()
      %scan3A_49 = arith.constant 0 : i32
      scf.yield %scan3A_49 : i32
    }
    %scan3A_38 = arith.constant 125 : i32
    %barrier3A_39 = arith.constant 0 : index
    tpu.barrier barrier_id(%barrier3A_39)
    "tpu.region"() ({
      %run_scoped3A = tpu.sem_alloc : memref<!tpu.dma_semaphore, #tpu.memory_space<semaphore_mem>>
      %dma_start3A = arith.constant 0 : i32
      %dma_start3A_40 = tpu.memref_slice %arg5[%arg0, %mul3A_2, %dma_start3A] : memref<2x10240x128xf32, #tpu.memory_space<hbm>> -> memref<1x640x128xf32, #tpu.memory_space<hbm>>
      %dma_start3A_41 = tpu.memref_squeeze %dma_start3A_40 : memref<1x640x128xf32, #tpu.memory_space<hbm>> -> memref<640x128xf32, #tpu.memory_space<hbm>>
      %dma_start3A_42 = arith.constant 0 : i32
      %dma_start3A_43 = tpu.memref_slice %arg7[%mul3A_2, %dma_start3A_42] : memref<10240x128xf32, #tpu.memory_space<vmem_shared>> -> memref<640x128xf32, #tpu.memory_space<vmem_shared>>
      tpu.enqueue_dma source(%dma_start3A_43 : memref<640x128xf32, #tpu.memory_space<vmem_shared>>) target(%dma_start3A_41 : memref<640x128xf32, #tpu.memory_space<hbm>>) target_semaphore(%run_scoped3A : memref<!tpu.dma_semaphore, #tpu.memory_space<semaphore_mem>>)
      %dma_wait3A = arith.constant 0 : i32
      %dma_wait3A_44 = tpu.memref_slice %arg5[%arg0, %mul3A_2, %dma_wait3A] : memref<2x10240x128xf32, #tpu.memory_space<hbm>> -> memref<1x640x128xf32, #tpu.memory_space<hbm>>
      %dma_wait3A_45 = tpu.memref_squeeze %dma_wait3A_44 : memref<1x640x128xf32, #tpu.memory_space<hbm>> -> memref<640x128xf32, #tpu.memory_space<hbm>>
      %dma_wait3A_46 = arith.constant 0 : i32
      %dma_wait3A_47 = tpu.memref_slice %arg7[%mul3A_2, %dma_wait3A_46] : memref<10240x128xf32, #tpu.memory_space<vmem_shared>> -> memref<640x128xf32, #tpu.memory_space<vmem_shared>>
      tpu.wait_dma2 semaphore(%run_scoped3A : memref<!tpu.dma_semaphore, #tpu.memory_space<semaphore_mem>>) src(%dma_wait3A_47 : memref<640x128xf32, #tpu.memory_space<vmem_shared>>) dst(%dma_wait3A_45 : memref<640x128xf32, #tpu.memory_space<hbm>>)
      tpu.yield
    }) : () -> ()
    "tpu.region"() ({
      %run_scoped3A = tpu.sem_alloc : memref<!tpu.dma_semaphore, #tpu.memory_space<semaphore_mem>>
      %dma_start3A = tpu.memref_slice %arg6[%arg0, %mul3A_2] : memref<2x10240xf32, #tpu.memory_space<hbm>> -> memref<1x640xf32, #tpu.memory_space<hbm>>
      %dma_start3A_40 = tpu.memref_squeeze %dma_start3A : memref<1x640xf32, #tpu.memory_space<hbm>> -> memref<640xf32, #tpu.memory_space<hbm>>
      %dma_start3A_41 = tpu.memref_slice %arg13[%mul3A_2] : memref<10240xf32, #tpu.memory_space<vmem_shared>> -> memref<640xf32, #tpu.memory_space<vmem_shared>>
      tpu.enqueue_dma source(%dma_start3A_41 : memref<640xf32, #tpu.memory_space<vmem_shared>>) target(%dma_start3A_40 : memref<640xf32, #tpu.memory_space<hbm>>) target_semaphore(%run_scoped3A : memref<!tpu.dma_semaphore, #tpu.memory_space<semaphore_mem>>)
      %dma_wait3A = tpu.memref_slice %arg6[%arg0, %mul3A_2] : memref<2x10240xf32, #tpu.memory_space<hbm>> -> memref<1x640xf32, #tpu.memory_space<hbm>>
      %dma_wait3A_42 = tpu.memref_squeeze %dma_wait3A : memref<1x640xf32, #tpu.memory_space<hbm>> -> memref<640xf32, #tpu.memory_space<hbm>>
      %dma_wait3A_43 = tpu.memref_slice %arg13[%mul3A_2] : memref<10240xf32, #tpu.memory_space<vmem_shared>> -> memref<640xf32, #tpu.memory_space<vmem_shared>>
      tpu.wait_dma2 semaphore(%run_scoped3A : memref<!tpu.dma_semaphore, #tpu.memory_space<semaphore_mem>>) src(%dma_wait3A_43 : memref<640xf32, #tpu.memory_space<vmem_shared>>) dst(%dma_wait3A_42 : memref<640xf32, #tpu.memory_space<hbm>>)
      tpu.yield
    }) : () -> ()
    return
  }
}

</mosaic_0001>

<sc_bundles>
// kernel: _sc_aggregate.3.cloned.1.call-start
scs
__scs_entry_jumppad:
0x0: {  	(pc) =	sbr.rel $0x88, $3  }
0x1: {  	(tag) =	ssettag $0x0;
	lr =	simm.s32 $0x1  }
0x2: {  	[smem:$0x3F9E] =	sst lr;
	_ =	strace $0xD0000000  }
0x3: {  	_ = 	snop  }
0x4: {  	_ = 	snop  }
0x5: {  	_ = 	snop  }
0x6: {  	_ = 	snop  }
0x7: {  	_ = 	snop  }
__scs_overlays_trampoline_lowered:
0x8: {  	[smem:$0x3FAD] =	sst s0  }
0x9: {  	[smem:$0x3FAE] =	sst s1  }
0xa: {  	[smem:$0x3FAF] =	sst s2  }
0xb: {  	[smem:$0x3FB0] =	sst s3  }
0xc: {  	[smem:$0x3FB1] =	sst s4  }
0xd: {  	[smem:$0x3FB2] =	sst s5  }
0xe: {  	[smem:$0x3FB3] =	sst s6  }
0xf: {  	[smem:$0x3FB4] =	sst s7  }
0x10: {  	[smem:$0x3FB5] =	sst s8  }
0x11: {  	[smem:$0x3FB6] =	sst s9;
	s0 =	simm.s32 @!p0 $0x0  }
0x12: {  	s1 =	sld [smem:$0x3F9C];
	s0 =	simm.s32 @p0 $0x1  }
0x13: {  	[smem:$0x3FB7] =	sst s0;
	s0 =	simm.s32 @!p1 $0x0  }
0x14: {  	s2 =	sld [smem:$0x3F9B];
	s0 =	simm.s32 @p1 $0x1  }
0x15: {  	[smem:$0x3FB8] =	sst s0;
	s0 =	simm.s32 @!p2 $0x0  }
0x16: {  	s3 =	sld [smem:$0x3FDB];
	s0 =	simm.s32 @p2 $0x1  }
0x17: {  	s4 =	simm.s32 $0x1BF5;
	[smem:$0x3FBA] =	sst s0  }
0x18: {  	s0 =	sld [smem:$0x3F9D];
	_ =	swait.ge [sflag:s4], $0x0  }
0x19: {  	s7 =	sld [smem:$0x3F9E]  }
0x1a: {  	s8 =	sadd.s32 $0xFFFFE003, lr  }
0x1b: {  	s9 =	sadd.s32 $0xFFFFFEF7, lr;
	s5 =	simm.s32 $0xFFFFFFFF;
	p2 =	slt.u32 s8, $0xFFFFF086  }
0x1c: {  	p1 =	slt.u32 s9, $0xF7A;
	s5 =	simm.s32 @!p2 $0x0  }
0x1d: {  	s5 =	simm.s32 @p1 $0x1;
	p0 =	seq.s32 s7, s2  }
0x1e: {  	s7 =	smul.u32 @!p0 $0xF7A, s2;
	p2 =	seq.s32 @!p0 s5, $0x0  }
0x1f: {  	s9 =	smul.u32 $0xF7A, s1;
	s8 =	simm.s32 @!p0 $0x1BF5;
	p2 =	por !p2, p0  }
0x20: {  	[sflag:s8] =	ssyncset.s32 @!p0 $0xFFFFF086;
	s6 =	sadd.s32 @!p0 s3, s7;
	s7 =	simm.s32 @!p0 $0x108  }
0x21: {  	s3 =	sadd.s32 s3, s9;
	s6 =	sadd.s32 @!p0 $0x88, s6;
	s7 =	simm.s32 @p2 $0x1082  }
0x22: {  	[simem:s7], [sflag:s8] =	dma.local @!p0 [hbm:s6], $0xF7A  }
0x23: {  	s9 =	sor.u32 $0xD0000000, s2;
	s6 =	simm.s32 $0x108;
	_ =	swait.ge @!p0 [sflag:s8], $0x0  }
0x24: {  	s3 =	sadd.s32 $0x88, s3;
	s6 =	simm.s32 @!p1 $0x1082;
	[sflag:s4] =	ssyncset.s32 $0xFFFFF086  }
0x25: {  	[simem:s6], [sflag:s4] =	dma.local [hbm:s3], $0xF7A  }
0x26: {  	[smem:$0x3F9E] =	sst s1;
	(tag) =	ssettag s2;
	_ =	strace s9  }
0x27: {  	s1 =	sld [smem:$0x3FAE]  }
0x28: {  	s2 =	sld [smem:$0x3FAF]  }
0x29: {  	s4 =	sld [smem:$0x3FB1]  }
0x2a: {  	p0 =	seq.s32 s5, $0x0;
	s5 =	sld [smem:$0x3FB2]  }
0x2b: {  	s6 =	sld [smem:$0x3FB3]  }
0x2c: {  	s7 =	sld [smem:$0x3FB4]  }
0x2d: {  	s3 =	simm.s32 $0x108;
	s8 =	sld [smem:$0x3FB5]  }
0x2e: {  	s3 =	simm.s32 @!p0 $0x1082;
	s9 =	sld [smem:$0x3FB6]  }
0x2f: {  	lr =	sadd.s32 s0, s3;
	s0 =	sld [smem:$0x3FAD]  }
0x30: {  	s3 =	sld [smem:$0x3FB0]  }
0x31: {  	[smem:$0x3FB9] =	sst s10  }
0x32: {  	s10 =	sld [smem:$0x3FB7];
	_ =	sdelay $0x3  }
0x33: {  	p0 =	seq.s32 s10, $0x1;
	s10 =	sld [smem:$0x3FB9];
	_ =	sdelay $0x3  }
0x34: {  	[smem:$0x3FB9] =	sst s10  }
0x35: {  	s10 =	sld [smem:$0x3FB8];
	_ =	sdelay $0x3  }
0x36: {  	p1 =	seq.s32 s10, $0x1;
	s10 =	sld [smem:$0x3FB9];
	_ =	sdelay $0x3  }
0x37: {  	[smem:$0x3FB9] =	sst s10  }
0x38: {  	s10 =	sld [smem:$0x3FBA]  }
0x39: {  	_ = 	snop;
	(pc) =	sbr.ind lr, $3  }
0x3a: {  	_ = 	snop  }
0x3b: {  	_ = 	snop  }
0x3c: {  	p2 =	seq.s32 s10, $0x1;
	s10 =	sld [smem:$0x3FB9]  }
0x3d: {  	_ =	shalt  }
0x3e: {  	_ =	shalt  }
0x3f: {  	_ =	shalt  }
0x40: {  	_ =	shalt  }
0x41: {  	_ =	shalt  }
0x42: {  	_ =	shalt  }
0x43: {  	_ =	shalt  }
0x44: {  	_ =	shalt  }
0x45: {  	_ =	shalt  }
0x46: {  	_ =	shalt  }
0x47: {  	_ =	shalt  }
0x48: {  	_ =	shalt  }
0x49: {  	_ =	shalt  }
0x4a: {  	_ =	shalt  }
0x4b: {  	_ =	shalt  }
0x4c: {  	_ =	shalt  }
0x4d: {  	_ =	shalt  }
0x4e: {  	_ =	shalt  }
0x4f: {  	_ =	shalt  }
0x50: {  	_ =	shalt  }
0x51: {  	_ =	shalt  }
0x52: {  	_ =	shalt  }
0x53: {  	_ =	shalt  }
0x54: {  	_ =	shalt  }
0x55: {  	_ =	shalt  }
0x56: {  	_ =	shalt  }
0x57: {  	_ =	shalt  }
0x58: {  	_ =	shalt  }
0x59: {  	_ =	shalt  }
0x5a: {  	_ =	shalt  }
0x5b: {  	_ =	shalt  }
0x5c: {  	_ =	shalt  }
0x5d: {  	_ =	shalt  }
0x5e: {  	_ =	shalt  }
0x5f: {  	_ =	shalt  }
0x60: {  	_ =	shalt  }
0x61: {  	_ =	shalt  }
0x62: {  	_ =	shalt  }
0x63: {  	_ =	shalt  }
0x64: {  	_ =	shalt  }
0x65: {  	_ =	shalt  }
0x66: {  	_ =	shalt  }
0x67: {  	_ =	shalt  }
0x68: {  	_ =	shalt  }
0x69: {  	_ =	shalt  }
0x6a: {  	_ =	shalt  }
0x6b: {  	_ =	shalt  }
0x6c: {  	_ =	shalt  }
0x6d: {  	_ =	shalt  }
0x6e: {  	_ =	shalt  }
0x6f: {  	_ =	shalt  }
0x70: {  	_ =	shalt  }
0x71: {  	_ =	shalt  }
0x72: {  	_ =	shalt  }
0x73: {  	_ =	shalt  }
0x74: {  	_ =	shalt  }
0x75: {  	_ =	shalt  }
0x76: {  	_ =	shalt  }
0x77: {  	_ =	shalt  }
0x78: {  	_ =	shalt  }
0x79: {  	_ =	shalt  }
0x7a: {  	_ =	shalt  }
0x7b: {  	_ =	shalt  }
0x7c: {  	_ =	shalt  }
0x7d: {  	_ =	shalt  }
0x7e: {  	_ =	shalt  }
0x7f: {  	_ =	shalt  }
0x80: {  	_ =	shalt  }
0x81: {  	_ =	shalt  }
0x82: {  	_ =	shalt  }
0x83: {  	_ =	shalt  }
0x84: {  	_ =	shalt  }
0x85: {  	_ =	shalt  }
0x86: {  	_ =	shalt  }
0x87: {  	_ =	shalt  }
.Lfunc_end0:
.L_simem_size_0:
called_computation_lowered:
.L_overlay_start_0:
0x88: {  	s2 =	sld [smem:$0x3FD9]  }
0x89: {  	s3 =	sld [smem:$0x3FFE];
	_ =	sdelay $0x1  }
0x8a: {  	s1 =	srdreg.scid  }
0x8b: {  	s0 =	sand.u32 $0x1, s1  }
0x8c: {  	s15 =	sshll.u32 s0, $0xA;
	s2 =	sadd.s32 s3, s2  }
0x8d: {  	s2 =	sadd.s32 s2, s15  }
0x8e: {  	[smem:$0x3FC5] =	sst s2  }
0x8f: {  	_ = 	snop  }
0x90: {  	s2 =	sld [smem:$0x3FD0]  }
0x91: {  	s16 =	sld [smem:$0x3FC9]  }
0x92: {  	s4 =	sld [smem:$0x3FC8]  }
0x93: {  	s6 =	simm.s32 $0xA;
	s7 =	simm.s32 $0x10;
	s5 =	sld [smem:$0x3FC7]  }
0x94: {  	[smem:s7], [sflag:s6] =	dma.local [hbm:s2], $0x1  }
0x95: {  	_ =	swait.eq [sflag:s6], $0x1  }
0x96: {  	[sflag:s6] =	ssyncset.done $0x0  }
0x97: {  	s17 =	sld [smem:$0x10];
	[sflag:s6] =	ssyncadd.s32 $0xFFFFFFFF  }
0x98: {  	s18 =	sld [smem:$0x11];
	(tm) =	ssettm $0x1  }
0x99: {  	s19 =	sld [smem:$0x3FFB];
	_ =	sdelay $0x3  }
0x9a: {  	_ =	strace s19  }
0x9b: {  	s7 =	sld [smem:$0x3FFC];
	_ =	sdelay $0x3  }
0x9c: {  	_ =	strace s7  }
0x9d: {  	s7 =	sld [smem:$0x3FFD];
	_ =	sdelay $0x3  }
0x9e: {  	_ =	strace s7  }
0x9f: {  	_ =	strace $0x8FFFFFFF  }
0xa0: {  	s20 =	sld [smem:$0x3FDB];
	_ =	sdelay $0x1  }
0xa1: {  	s8 =	simm.s32 $_scs_section_size  }
0xa2: {  	s9 =	simm.s32 $_size__tile_overlayer_lowered;
	s10 =	simm.s32 $_tile_overlayer_lowered  }
0xa3: {  	s23 =	simm.s32 $0x1BFF;
	s22 =	sshll.u32 s10, $0x1;
	s7 =	sadd.s32 s8, s20  }
0xa4: {  	s11 =	simm.s32 $0x0;
	s21 =	sshll.u32 s9, $0x1;
	s9 =	sadd.s32 s22, s7  }
0xa5: {  	[timem:s11], [sflag:s23] =	dma.local [hbm:s9], s21  }
0xa6: {  	_ =	swait.ge [sflag:s23], s21  }
0xa7: {  	s8 =	ssub.s32 $0x0, s21;
	[sflag:s23] =	ssyncset.done $0x0  }
0xa8: {  	[sflag:s23] =	ssyncadd.s32 s8;
	_ =	sdelay $0x1  }
0xa9: {  	s24 =	simm.s32 $0x1B8B  }
0xaa: {  	_ =	swait.ge [sflag:s24], $0x1  }
0xab: {  	[sflag:s24] =	ssyncset.done $0x0  }
0xac: {  	s25 =	simm.s32 $0x1B8E;
	[sflag:s24] =	ssyncadd.s32 $0xFFFFFFFF  }
0xad: {  	s26 =	simm.s32 $execute0_lowered;
	[smem:$0x3FD2] =	sst s25  }
0xae: {  	s8 =	sshll.u32 s26, $0x1;
	_ =	strace $0x80000046;
	[dreg:$0x1] =	wrdreg $0xFFFFFFFF  }
0xaf: {  	s28 =	simm.s32 $_size_execute0_lowered;
	s7 =	sadd.s32 s7, s8;
	[dreg:$0x0] =	wrdreg $0x0  }
0xb0: {  	s8 =	sshll.u32 s28, $0x1;
	[dreg:$0x2] =	wrdreg s7  }
0xb1: {  	[dreg:$0x3] =	wrdreg s8  }
0xb2: {  	[dreg:$0x4] =	wrdreg $0xC0  }
0xb3: {  	_ =	task [dreg:s11], $0x5FFFF  }
0xb4: {  	[dreg:$0x1] =	wrdreg $0xFFFFFFFF  }
0xb5: {  	[dreg:$0x0] =	wrdreg $0x60  }
0xb6: {  	[dreg:$0x2] =	wrdreg s16  }
0xb7: {  	[dreg:$0x3] =	wrdreg s4  }
0xb8: {  	[dreg:$0x4] =	wrdreg s5  }
0xb9: {  	[dreg:$0x5] =	wrdreg s17  }
0xba: {  	[dreg:$0x6] =	wrdreg s18  }
0xbb: {  	[dreg:$0x7] =	wrdreg $0x0  }
0xbc: {  	[dreg:$0x8] =	wrdreg $0x171000  }
0xbd: {  	[dreg:$0x9] =	wrdreg $0x9  }
0xbe: {  	_ =	task.clear_ibuf [dreg:s11], $0xAFFFF;
	_ =	strace $0x90000046  }
0xbf: {  	s29 =	simm.s32 $0x9;
	_ =	strace $0x80000048  }
0xc0: {  	_ =	swait.ge [sflag:s29], $0x1  }
0xc1: {  	[sflag:s29] =	ssyncadd.s32 $0xFFFFFFFF  }
0xc2: {  	_ =	strace $0x90000048  }
0xc3: {  	_ =	sfence  }
0xc4: {  	s30 =	sld [smem:$0x0];
	_ =	sdelay $0x2  }
0xc5: {  	s31 =	sshll.u32 s1, $0xD;
	s1 =	sshrl.u32 s1, $0x2  }
0xc6: {  	s3 =	sand.u32 $0x4000, s31;
	s1 =	sadd.s32 s1, s30  }
0xc7: {  	s0 =	sor.u32 s3, s0;
	s1 =	sshll.u32 s1, $0x11  }
0xc8: {  	s0 =	sor.u32 s1, s0  }
0xc9: {  	s0 =	sadd.s32 $0x8F2B, s0  }
0xca: {  	[sflag:s0] =	ssyncadd.remote.s32 $0x1  }
0xcb: {  	_ =	sfence.sel $0xFFFF  }
0xcc: {  	[dreg:$0x0] =	wrdreg $0xFFFFFFFF;
	(pc) =	sbr.abs _section_cstart, $3  }
0xcd: {  	[dreg:$0x1] =	wrdreg $0xFFFFFFFF  }
0xce: {  	_ =	task.clear_ibuf [dreg:s11], $0x2FFFF;
	_ =	strace $0x9FFFFFFF  }
0xcf: {  	(tm) =	ssettm $0x7FFFFFFF  }
tec
execute0_lowered:
.L_overlay_start_1:
0x0: {  	(tag) =	ssettag $0x1  }
0x1: {  	s0 =	rddreg [dreg:$0x0]  }
0x2: {  	s12 =	rddreg [dreg:$0x1]  }
0x3: {  	s11 =	rddreg [dreg:$0x2]  }
0x4: {  	s8 =	rddreg [dreg:$0x3]  }
0x5: {  	s9 =	rddreg [dreg:$0x4]  }
0x6: {  	s3 =	rddreg [dreg:$0x5]  }
0x7: {  	s4 =	rddreg [dreg:$0x6];
	s2 =	stileid.u32  }
0x8: {  	s1 =	rddreg [dreg:$0x7];
	s7 =	smul.u32 $0x50000, s2  }
0x9: {  	s6 =	srdreg.scid;
	s5 =	simm.s32 $0x0;
	s13 =	smul.u32 $0xA00, s2  }
0xa: {  	s19 =	simm.s32 $0x14100;
	s20 =	simm.s32 $0x1;
	s15 =	smul.u32 $0x14000, s2  }
0xb: {  	s21 =	simm.s32 $0x17380;
	s22 =	simm.s32 $0x20;
	s17 =	smul.u32 $0x500, s2  }
0xc: {  	s23 =	simm.s32 $0x10;
	s10 =	sand.u32 $0x1, s6;
	s31 =	smul.u32 $0x2710, s2  }
0xd: {  	s24 =	simm.s32 $0x0;
	[smem:$0x7FF] =	sst s5;
	s14 =	smul.u32 $0x140000, s10  }
0xe: {  	_ =	strace $0x80000047;
	s6 =	ssub.s32 $0x2, s10;
	s18 =	smul.u32 $0x27100, s10  }
0xf: {  	s10 =	sshll.u32 s10, $0x7;
	s16 =	sshrl.u32 s6, $0x1;
	s7 =	sshrl.u32 s7, $0x2  }
0x10: {  	s30 =	sshrl.u32 s13, $0x2;
	s10 =	sor.u32 s10, s17;
	s17 =	simm.s32 $0x14080  }
0x11: {  	s16 =	ssub.s32 s6, s16;
	s6 =	sadd.s32 s7, s3;
	s7 =	sadd.s32 s30, s4  }
0x12: {  	s14 =	sadd.s32 s15, s14;
	s10 =	sshrl.u32 s10, $0x3;
	s13 =	sadd.s32 s31, s18  }
0x13: {  	s15 =	simm.s32 $0x17400;
	s18 =	simm.s32 $0x50;
	s14 =	sshrl.u32 s14, $0x3  }
0x14: {  	s9 =	sadd.s32 s9, s10;
	s13 =	sshrl.u32 s13, $0x3;
	s10 =	smax.u32 s16, $0x1  }
0x15: {  	s16 =	simm.s32 $0x14000;
	s8 =	sadd.s32 s8, s14;
	s11 =	sadd.s32 s13, s11  }
0x16: {  	v0 =	vimm.f32 $0.0e+00;
	v1 =	vimm.f32 $1.000000000e+00;
	s12 =	sadd.s32 s13, s12;
	s13 =	simm.s32 $0x16900;
	s14 =	simm.s32 $0x2  }
.LBB2_1:
0x17: {  	s25 =	simm.s32 $0x0;
	s26 =	simm.s32 $0x0  }
.LBB2_2:
0x18: {  	p0 =	sne.s32 s26, $0x1FC0  }
.Ltmp0:
0x19: {  	_ = 	snop;
	(pc) =	sbr.rel @p0 .LBB2_2-.Ltmp0, $4  }
0x1a: {  	s28 =	sand.u32 $0x1E00, s26  }
0x1b: {  	s29 =	sand.u32 $0x70, s25;
	s28 =	sshrl.u32 s28, $0x2  }
0x1c: {  	s28 =	sor.u32 s29, s28  }
0x1d: {  	s25 =	sadd.s32 $0x10, s25;
	s26 =	sadd.s32 $0x40, s26;
	[tilespmem:s28+$0x16900] =	vst v0  }
0x1e: {  	s25 =	sadd.s32 $0x0, s6  }
0x1f: {  	[spmem:s25] =	stream.linear.scatter [tilespmem:s13], [sflag:$0x2], $0x800, $0x38;
	[tilespmem:$0x17680] =	vst v63  }
0x20: {  	s25 =	simm.s32 $0x2000;
	_ =	swait.ge [sflag:s14], $0x800  }
.LBB2_4:
0x21: {  	s26 =	sshra.s32 s25, $0x2;
	[sflag:s14] =	ssyncset.done $0x0;
	p0 =	sne.s32 s25, $0x4E000  }
.Ltmp1:
0x22: {  	s26 =	sadd.s32 s26, s6;
	[sflag:s14] =	ssyncadd.s32 $0xFFFFF800;
	(pc) =	sbr.rel @p0 .LBB2_4-.Ltmp1, $3  }
0x23: {  	[spmem:s26] =	stream.linear.scatter [tilespmem:s13], [sflag:$0x2], $0x800, $0x38;
	[tilespmem:$0x17680] =	vst v63  }
0x24: {  	s25 =	sadd.s32 $0x2000, s25;
	_ =	sdelay $0x1  }
0x25: {  	_ =	swait.ge [sflag:s14], $0x800  }
0x26: {  	[sflag:s14] =	ssyncset.done $0x0  }
0x27: {  	[sflag:s14] =	ssyncadd.s32 $0xFFFFF800  }
0x28: {  	[tilespmem:$0x17400] =	vst v0  }
0x29: {  	[tilespmem:$0x17410] =	vst v0  }
0x2a: {  	[tilespmem:$0x17420] =	vst v0  }
0x2b: {  	[tilespmem:$0x17430] =	vst v0  }
0x2c: {  	[tilespmem:$0x17440] =	vst v0  }
0x2d: {  	[tilespmem:$0x17450] =	vst v0  }
0x2e: {  	[tilespmem:$0x17460] =	vst v0  }
0x2f: {  	[tilespmem:$0x17470] =	vst v0  }
0x30: {  	[tilespmem:$0x17480] =	vst v0  }
0x31: {  	[tilespmem:$0x17490] =	vst v0  }
0x32: {  	[tilespmem:$0x174A0] =	vst v0  }
0x33: {  	[tilespmem:$0x174B0] =	vst v0  }
0x34: {  	[tilespmem:$0x174C0] =	vst v0  }
0x35: {  	[tilespmem:$0x174D0] =	vst v0  }
0x36: {  	[tilespmem:$0x174E0] =	vst v0  }
0x37: {  	[tilespmem:$0x174F0] =	vst v0  }
0x38: {  	[tilespmem:$0x17500] =	vst v0  }
0x39: {  	[tilespmem:$0x17510] =	vst v0  }
0x3a: {  	[tilespmem:$0x17520] =	vst v0  }
0x3b: {  	[tilespmem:$0x17530] =	vst v0  }
0x3c: {  	[tilespmem:$0x17540] =	vst v0  }
0x3d: {  	[tilespmem:$0x17550] =	vst v0  }
0x3e: {  	[tilespmem:$0x17560] =	vst v0  }
0x3f: {  	[tilespmem:$0x17570] =	vst v0  }
0x40: {  	[tilespmem:$0x17580] =	vst v0  }
0x41: {  	[tilespmem:$0x17590] =	vst v0  }
0x42: {  	[tilespmem:$0x175A0] =	vst v0  }
0x43: {  	[tilespmem:$0x175B0] =	vst v0  }
0x44: {  	[tilespmem:$0x175C0] =	vst v0  }
0x45: {  	[tilespmem:$0x175D0] =	vst v0  }
0x46: {  	[tilespmem:$0x175E0] =	vst v0  }
0x47: {  	[tilespmem:$0x175F0] =	vst v0  }
0x48: {  	[tilespmem:$0x17600] =	vst v0  }
0x49: {  	[tilespmem:$0x17610] =	vst v0  }
0x4a: {  	[tilespmem:$0x17620] =	vst v0  }
0x4b: {  	[tilespmem:$0x17630] =	vst v0  }
0x4c: {  	[tilespmem:$0x17640] =	vst v0  }
0x4d: {  	[tilespmem:$0x17650] =	vst v0  }
0x4e: {  	[tilespmem:$0x17660] =	vst v0  }
0x4f: {  	[tilespmem:$0x17670] =	vst v0  }
0x50: {  	[spmem:s7] =	stream.linear.scatter [tilespmem:s15], [sflag:$0x2], $0x280, $0x38;
	[tilespmem:$0x17680] =	vst v63  }
0x51: {  	_ =	swait.ge [sflag:s14], $0x280  }
0x52: {  	[sflag:s14] =	ssyncset.done $0x0  }
0x53: {  	[sflag:s14] =	ssyncadd.s32 $0xFFFFFD80  }
0x54: {  	[tilespmem:$0x17380] =	vst v1  }
0x55: {  	[tilespmem:$0x17390] =	vst v1  }
0x56: {  	[tilespmem:$0x173A0] =	vst v1  }
0x57: {  	[tilespmem:$0x173B0] =	vst v1  }
0x58: {  	[tilespmem:$0x173C0] =	vst v1  }
0x59: {  	s25 =	sadd.s32 $0x0, s12;
	[bflag:$0x0] =	sbarrier.arrive $0xFFFF  }
0x5a: {  	[tilespmem:s16], [sflag:$0x2] =	stream.linear.gather [hbm4b:s25+s5], $0x50, $0x38;
	[tilespmem:$0x17680] =	vst v63  }
0x5b: {  	_ =	swait.ge [sflag:s14], $0x50  }
0x5c: {  	[sflag:s14] =	ssyncset.done $0x0  }
0x5d: {  	s31 =	sadd.s32 $0x0, s11;
	[sflag:s14] =	ssyncadd.s32 $0xFFFFFFB0  }
0x5e: {  	[tilespmem:s17], [sflag:$0x2] =	stream.linear.gather [hbm4b:s31+s5], $0x50, $0x38;
	[tilespmem:$0x17680] =	vst v63  }
0x5f: {  	_ =	swait.ge [sflag:s14], $0x50  }
0x60: {  	[sflag:s14] =	ssyncset.done $0x0  }
0x61: {  	[sflag:s14] =	ssyncadd.s32 $0xFFFFFFB0  }
0x62: {  	[tilespmem:s19], [sflag:$0x1] =	stream.indirect.gather [hbm4b:s0+s18], $0x80, s16, s18, $0xb8;
	[tilespmem:$0x17680] =	vst v63  }
0x63: {  	_ =	swait.ge [sflag:s20], $0x2800  }
0x64: {  	[sflag:s20] =	ssyncset.done $0x0  }
0x65: {  	[sflag:s20] =	ssyncadd.s32 $0xFFFFD800  }
0x66: {  	[spmem:s3] =	stream.indirect.scatter.add.f32 [tilespmem:s19], [sflag:$0x2], $0x80, s17, s18, $0xb8;
	[tilespmem:$0x17680] =	vst v63  }
0x67: {  	_ =	swait.ge [sflag:s14], $0x2800  }
0x68: {  	[sflag:s14] =	ssyncset.done $0x0  }
0x69: {  	[sflag:s14] =	ssyncadd.s32 $0xFFFFD800  }
0x6a: {  	[spmem:s4] =	stream.indirect.scatter.add.f32 [tilespmem:s21], [sflag:$0x2], $0x1, s17, s18, $0xb8;
	[tilespmem:$0x17680] =	vst v63  }
0x6b: {  	_ =	swait.ge [sflag:s14], $0x50  }
0x6c: {  	s26 =	simm.s32 $0x14;
	s25 =	simm.s32 $0xA;
	[sflag:s14] =	ssyncset.done $0x0  }
.LBB2_6:
0x6d: {  	s28 =	sadd.s32 s25, s12  }
0x6e: {  	[sflag:s14] =	ssyncadd.s32 $0xFFFFFFB0;
	s29 =	smov.u32 s26;
	s30 =	sadd.s32 $0xA, s26  }
0x6f: {  	[tilespmem:s16], [sflag:$0x2] =	stream.linear.gather [hbm4b:s28+s5], $0x50, $0x38;
	[tilespmem:$0x17680] =	vst v63  }
0x70: {  	p0 =	sne.s32 s26, $0x4D8;
	_ =	swait.ge [sflag:s14], $0x50  }
0x71: {  	[sflag:s14] =	ssyncset.done $0x0  }
0x72: {  	s26 =	sadd.s32 s25, s11;
	s25 =	smov.u32 s29;
	[sflag:s14] =	ssyncadd.s32 $0xFFFFFFB0  }
0x73: {  	[tilespmem:s17], [sflag:$0x2] =	stream.linear.gather [hbm4b:s26+s5], $0x50, $0x38;
	[tilespmem:$0x17680] =	vst v63  }
0x74: {  	_ =	swait.ge [sflag:s14], $0x50  }
0x75: {  	[sflag:s14] =	ssyncset.done $0x0  }
0x76: {  	[sflag:s14] =	ssyncadd.s32 $0xFFFFFFB0  }
0x77: {  	[tilespmem:s19], [sflag:$0x1] =	stream.indirect.gather [hbm4b:s0+s18], $0x80, s16, s18, $0xb8;
	[tilespmem:$0x17680] =	vst v63  }
0x78: {  	_ =	swait.ge [sflag:s20], $0x2800  }
0x79: {  	[sflag:s20] =	ssyncset.done $0x0  }
0x7a: {  	[sflag:s20] =	ssyncadd.s32 $0xFFFFD800  }
0x7b: {  	[spmem:s3] =	stream.indirect.scatter.add.f32 [tilespmem:s19], [sflag:$0x2], $0x80, s17, s18, $0xb8;
	[tilespmem:$0x17680] =	vst v63  }
0x7c: {  	_ =	swait.ge [sflag:s14], $0x2800  }
.Ltmp2:
0x7d: {  	[sflag:s14] =	ssyncset.done $0x0;
	(pc) =	sbr.rel @p0 .LBB2_6-.Ltmp2, $4  }
0x7e: {  	[sflag:s14] =	ssyncadd.s32 $0xFFFFD800  }
0x7f: {  	[spmem:s4] =	stream.indirect.scatter.add.f32 [tilespmem:s21], [sflag:$0x2], $0x1, s17, s18, $0xb8;
	[tilespmem:$0x17680] =	vst v63  }
0x80: {  	_ =	swait.ge [sflag:s14], $0x50  }
0x81: {  	s26 =	smov.u32 s30;
	[sflag:s14] =	ssyncset.done $0x0  }
0x82: {  	s26 =	sadd.s32 s25, s12;
	[sflag:s14] =	ssyncadd.s32 $0xFFFFFFB0  }
0x83: {  	[tilespmem:s16], [sflag:$0x2] =	stream.linear.gather [hbm4b:s26+s5], $0x50, $0x38;
	[tilespmem:$0x17680] =	vst v63  }
0x84: {  	_ =	swait.ge [sflag:s14], $0x50  }
0x85: {  	[sflag:s14] =	ssyncset.done $0x0  }
0x86: {  	s28 =	sadd.s32 s25, s11;
	[sflag:s14] =	ssyncadd.s32 $0xFFFFFFB0  }
0x87: {  	[tilespmem:s17], [sflag:$0x2] =	stream.linear.gather [hbm4b:s28+s5], $0x50, $0x38;
	[tilespmem:$0x17680] =	vst v63  }
0x88: {  	_ =	swait.ge [sflag:s14], $0x50  }
0x89: {  	[sflag:s14] =	ssyncset.done $0x0  }
0x8a: {  	[sflag:s14] =	ssyncadd.s32 $0xFFFFFFB0  }
0x8b: {  	[tilespmem:s19], [sflag:$0x1] =	stream.indirect.gather [hbm4b:s0+s18], $0x80, s16, s18, $0xb8;
	[tilespmem:$0x17680] =	vst v63  }
0x8c: {  	_ =	swait.ge [sflag:s20], $0x2800  }
0x8d: {  	[sflag:s20] =	ssyncset.done $0x0  }
0x8e: {  	[sflag:s20] =	ssyncadd.s32 $0xFFFFD800  }
0x8f: {  	[spmem:s3] =	stream.indirect.scatter.add.f32 [tilespmem:s19], [sflag:$0x2], $0x80, s17, s18, $0xb8;
	[tilespmem:$0x17680] =	vst v63  }
0x90: {  	_ =	swait.ge [sflag:s14], $0x2800  }
0x91: {  	[sflag:s14] =	ssyncset.done $0x0  }
0x92: {  	[sflag:s14] =	ssyncadd.s32 $0xFFFFD800  }
0x93: {  	[spmem:s4] =	stream.indirect.scatter.add.f32 [tilespmem:s21], [sflag:$0x2], $0x1, s17, s18, $0xb8;
	[tilespmem:$0x17680] =	vst v63  }
0x94: {  	_ =	swait.ge [sflag:s14], $0x50  }
0x95: {  	[sflag:s14] =	ssyncset.done $0x0  }
0x96: {  	s29 =	sshll.u32 s2, $0x6;
	[sflag:s14] =	ssyncadd.s32 $0xFFFFFFB0  }
0x97: {  	s30 =	sshrl.u32 s6, $0x3;
	s25 =	sor.u32 $0x1C02, s29;
	[bflag:$0x0] =	sbarrier.arrive $0xFFFF  }
0x98: {  	[hbm:s8], [sflag:s25] =	dma.local [spmem:s30], $0x2800  }
0x99: {  	s24 =	sadd.s32 $0x1, s24;
	_ =	swait.ge [sflag:s14], $0x2800  }
0x9a: {  	p0 =	sne.s32 s24, s10;
	[sflag:s14] =	ssyncset.done $0x0  }
.Ltmp3:
0x9b: {  	s31 =	sshrl.u32 s7, $0x3;
	[sflag:s14] =	ssyncadd.s32 $0xFFFFD800;
	(pc) =	sbr.rel @p0 .LBB2_1-.Ltmp3, $4  }
0x9c: {  	[hbm:s9@s22], [sflag:s25] =	dma.strided [spmem:s31@s23], $0x50, s20, $0x10   }
0x9d: {  	_ =	swait.ge [sflag:s14], $0x50  }
0x9e: {  	[sflag:s14] =	ssyncset.done $0x0  }
0x9f: {  	[sflag:s14] =	ssyncadd.s32 $0xFFFFFFB0  }
0xa0: {  	_ =	sfence.sel $0x180000  }
0xa1: {  	[bflag:$0x0] =	sbarrier.arrive $0xFFFF  }
0xa2: {  	p0 =	sne.s32 s2, $0x0;
	_ =	strace $0x90000047  }
0xa3: {  	s0 =	sadd.s32 @!p0 $0x100000, s1;
	[bflag:$0x2] =	sbarrier.arrive $0xFFFF  }
0xa4: {  	[sflag:s0] =	ssyncadd.tile.s32 @!p0 $0x1;
	_ =	shalt  }
.Lfunc_end2:
_tile_overlayer_lowered:
.L_overlay_start_2:
0xa5: {  	(tag) =	ssettag $0x2  }
0xa6: {  	s0 =	rddreg [dreg:$0x0];
	s2 =	stileid.u32  }
0xa7: {  	s1 =	rddreg [dreg:$0x1];
	p0 =	sne.s32 s2, $0x0  }
0xa8: {  	s3 =	rddreg [dreg:$0x2];
	[bflag:$0x3] =	sbarrier.arrive $0xFFFF;
	s2 =	simm.s32 @!p0 $0x1C02  }
0xa9: {  	[timem:s3], [sflag:s2] =	dma.local @!p0 [hbm:s0], s1  }
0xaa: {  	s0 =	simm.s32 @!p0 $0x2  }
0xab: {  	_ =	swait.ge @!p0 [sflag:s0], s1  }
0xac: {  	s1 =	ssub.s32 @!p0 $0x0, s1;
	[sflag:s0] =	ssyncset.done @!p0 $0x0  }
0xad: {  	[sflag:s0] =	ssyncadd.s32 @!p0 s1  }
0xae: {  	[bflag:$0x3] =	sbarrier.arrive $0xFFFF  }
0xaf: {  	_ =	shalt  }

</sc_bundles>
